<compile_context>
chip_gen: v7x
topology: tpu7x:2x2x1
jax: 0.10.2.dev20260603
libtpu: 0.0.44.dev20260713+nightly
codegen_flags: <defaults>
</compile_context>

<pallas_src>
import jax
import jax.numpy as jnp
from jax import lax
from jax.experimental import pallas as pl
from jax.experimental.pallas import tpu as pltpu
from jax.experimental.pallas import tpu_sc as plsc

_INFO = plsc.get_sparse_core_info()
_NC = _INFO.num_cores
_NS = _INFO.num_subcores
_NW = _NC * _NS

_VPAD = 1 << 20
_B = 16384 * 200
_B_PER_W = _B // _NW
_CHUNK = 12800
_STEPS = _B_PER_W // _CHUNK
_TAB_SLICE = _VPAD // _NS


def _gather_body(table_hbm, idx_hbm, out_hbm, tab_s,
                 idx0, idx1, rows0, rows1,
                 sl0, sl1, sg0, sg1, ss0, ss1):
    cid = lax.axis_index("c")
    sid = lax.axis_index("s")
    wid = sid * _NC + cid
    base = wid * _B_PER_W

    idx_v = (idx0, idx1)
    rows_v = (rows0, rows1)
    sem_l = (sl0, sl1)
    sem_g = (sg0, sg1)
    sem_s = (ss0, ss1)

    def load(i):
        off = base + i * _CHUNK
        return pltpu.async_copy(idx_hbm.at[pl.ds(off, _CHUNK)],
                                idx_v[i % 2], sem_l[i % 2])

    def gather(i):
        return pltpu.async_copy(tab_s.at[idx_v[i % 2]],
                                rows_v[i % 2], sem_g[i % 2])

    def store(i):
        off = base + i * _CHUNK
        return pltpu.async_copy(rows_v[i % 2],
                                out_hbm.at[pl.ds(off, _CHUNK)], sem_s[i % 2])

    dma_l = {0: load(0)}
    dma_g, dma_s = {}, {}

    tb = sid * _TAB_SLICE
    pltpu.sync_copy(table_hbm.at[pl.ds(tb, _TAB_SLICE)],
                    tab_s.at[pl.ds(tb, _TAB_SLICE)])
    plsc.subcore_barrier()

    for i in range(_STEPS):
        dma_l[i].wait()
        if i >= 2:
            dma_s[i - 2].wait()
        dma_g[i] = gather(i)
        if i >= 1:
            dma_g[i - 1].wait()
            dma_s[i - 1] = store(i - 1)
        if i + 1 < _STEPS:
            dma_l[i + 1] = load(i + 1)
    dma_g[_STEPS - 1].wait()
    dma_s[_STEPS - 1] = store(_STEPS - 1)
    dma_s[_STEPS - 2].wait()
    dma_s[_STEPS - 1].wait()


@jax.jit
def _sc_gather(table_padded, idx_flat):
    mesh = plsc.VectorSubcoreMesh(core_axis_name="c", subcore_axis_name="s")
    f = pl.kernel(
        _gather_body,
        mesh=mesh,
        out_type=jax.ShapeDtypeStruct((_B,), jnp.float32),
        scratch_types=[
            pltpu.VMEM_SHARED((_VPAD,), jnp.float32),
            pltpu.VMEM((_CHUNK,), jnp.int32),
            pltpu.VMEM((_CHUNK,), jnp.int32),
            pltpu.VMEM((_CHUNK,), jnp.float32),
            pltpu.VMEM((_CHUNK,), jnp.float32),
            pltpu.SemaphoreType.DMA,
            pltpu.SemaphoreType.DMA,
            pltpu.SemaphoreType.DMA,
            pltpu.SemaphoreType.DMA,
            pltpu.SemaphoreType.DMA,
            pltpu.SemaphoreType.DMA,
        ],
    )
    return f(table_padded, idx_flat)


def kernel(table, user_ids, item_ids):
    table_padded = jnp.pad(table, (0, _VPAD - table.shape[0]))
    idx_flat = item_ids.reshape(-1).astype(jnp.int32)
    out = _sc_gather(table_padded, idx_flat)
    return out.reshape(item_ids.shape)

# --- scband reference (transcript-rebuilt; emitter-appended) ---
"""Pipeline reference for scband-test-model-16329465660220 (READ-ONLY COPY).

The authoritative reference and input builder live on the scoring server;
editing this copy changes nothing except your own understanding.
"""

import jax, jax.numpy as jnp
import numpy as np

VOCAB = 1000000
BATCH = 16384
HIST = 200

def setup_inputs(seed: int = 0) -> dict:
    key = jax.random.key(seed)
    k1, k2, k3, k4 = jax.random.split(key, 4)
    user_ids = jax.random.randint(k1, (BATCH,), 0, VOCAB)
    item_ids = jax.random.randint(k2, (BATCH, HIST), 0, VOCAB)
    # Materialize the popularity-rank lookup table as a dense float array.
    # Entries are the popularity rank for items present in `train`, -1 otherwise
    # (matching `self.table.get(item, -1)` in the torch module).
    ranks = jax.random.permutation(k3, VOCAB).astype(jnp.float32)
    present = jax.random.uniform(k4, (VOCAB,)) < 0.9
    table = jnp.where(present, ranks, jnp.float32(-1.0))
    return {"table": table, "user_ids": user_ids, "item_ids": item_ids}

def reference(table, user_ids, item_ids):
    # Faithful translation: per-element table lookup of item ids -> float scores.
    # user_ids is accepted but unused, exactly as in the torch forward.
    scores = jnp.take(table, item_ids, axis=0)
    return scores

if __name__ == "__main__":
    import jax
    _d = setup_inputs()
    print(jax.jit(kernel)(*tuple(_d.values())))

</pallas_src>

<mosaic_0001>
#map = affine_map<(d0, d1) -> (0)>
module attributes {stable_mosaic.version = 14 : i64} {
  func.func @_gather_body(%arg0: i32, %arg1: i32, %arg2: memref<1048576xf32, #tpu.memory_space<hbm>>, %arg3: memref<3276800xi32, #tpu.memory_space<hbm>>, %arg4: memref<3276800xf32, #tpu.memory_space<hbm>>, %arg5: memref<1048576xf32, #tpu.memory_space<vmem_shared>>, %arg6: memref<12800xi32, #tpu.memory_space<vmem>>, %arg7: memref<12800xi32, #tpu.memory_space<vmem>>, %arg8: memref<12800xf32, #tpu.memory_space<vmem>>, %arg9: memref<12800xf32, #tpu.memory_space<vmem>>, %arg10: memref<!tpu.dma_semaphore, #tpu.memory_space<semaphore_mem>>, %arg11: memref<!tpu.dma_semaphore, #tpu.memory_space<semaphore_mem>>, %arg12: memref<!tpu.dma_semaphore, #tpu.memory_space<semaphore_mem>>, %arg13: memref<!tpu.dma_semaphore, #tpu.memory_space<semaphore_mem>>, %arg14: memref<!tpu.dma_semaphore, #tpu.memory_space<semaphore_mem>>, %arg15: memref<!tpu.dma_semaphore, #tpu.memory_space<semaphore_mem>>) attributes {dimension_semantics = [#tpu.dimension_semantics<core_parallel>, #tpu.dimension_semantics<subcore_parallel>], iteration_bounds = array<i64: 2, 16>, scalar_prefetch = 0 : i64, scratch_operands = 11 : i64, tpu.core_type = #tpu.core_type<sc_vector_subcore>, window_params = [{transform_indices = #map}, {transform_indices = #map}, {transform_indices = #map}]} {
    %mul3A = arith.constant 2 : i32
    %mul3A_0 = arith.muli %arg1, %mul3A : i32
    %add3A = arith.addi %mul3A_0, %arg0 : i32
    %mul3A_1 = arith.constant 102400 : i32
    %mul3A_2 = arith.muli %add3A, %mul3A_1 : i32
    %add3A_3 = arith.constant 0 : i32
    %add3A_4 = arith.addi %mul3A_2, %add3A_3 : i32
    %dma_start3A = tpu.memref_slice %arg3[%add3A_4] : memref<3276800xi32, #tpu.memory_space<hbm>> -> memref<12800xi32, #tpu.memory_space<hbm>>
    %dma_start3A_5 = tpu.memref_slice %arg3[%add3A_4] : memref<3276800xi32, #tpu.memory_space<hbm>> -> memref<12800xi32, #tpu.memory_space<hbm>>
    tpu.enqueue_dma source(%dma_start3A_5 : memref<12800xi32, #tpu.memory_space<hbm>>) target(%arg6 : memref<12800xi32, #tpu.memory_space<vmem>>) target_semaphore(%arg10 : memref<!tpu.dma_semaphore, #tpu.memory_space<semaphore_mem>>)
    %mul3A_6 = arith.constant 65536 : i32
    %mul3A_7 = arith.muli %arg1, %mul3A_6 : i32
    "tpu.region"() ({
      %run_scoped3A = tpu.sem_alloc : memref<!tpu.dma_semaphore, #tpu.memory_space<semaphore_mem>>
      %dma_start3A_131 = tpu.memref_slice %arg5[%mul3A_7] : memref<1048576xf32, #tpu.memory_space<vmem_shared>> -> memref<65536xf32, #tpu.memory_space<vmem_shared>>
      %dma_start3A_132 = tpu.memref_slice %arg2[%mul3A_7] : memref<1048576xf32, #tpu.memory_space<hbm>> -> memref<65536xf32, #tpu.memory_space<hbm>>
      tpu.enqueue_dma source(%dma_start3A_132 : memref<65536xf32, #tpu.memory_space<hbm>>) target(%dma_start3A_131 : memref<65536xf32, #tpu.memory_space<vmem_shared>>) target_semaphore(%run_scoped3A : memref<!tpu.dma_semaphore, #tpu.memory_space<semaphore_mem>>)
      %dma_wait3A_133 = tpu.memref_slice %arg5[%mul3A_7] : memref<1048576xf32, #tpu.memory_space<vmem_shared>> -> memref<65536xf32, #tpu.memory_space<vmem_shared>>
      %dma_wait3A_134 = tpu.memref_slice %arg2[%mul3A_7] : memref<1048576xf32, #tpu.memory_space<hbm>> -> memref<65536xf32, #tpu.memory_space<hbm>>
      tpu.wait_dma2 semaphore(%run_scoped3A : memref<!tpu.dma_semaphore, #tpu.memory_space<semaphore_mem>>) src(%dma_wait3A_134 : memref<65536xf32, #tpu.memory_space<hbm>>) dst(%dma_wait3A_133 : memref<65536xf32, #tpu.memory_space<vmem_shared>>)
      tpu.yield
    }) : () -> ()
    %barrier3A = arith.constant 0 : index
    tpu.barrier barrier_id(%barrier3A)
    %dma_wait3A = tpu.memref_slice %arg3[%add3A_4] : memref<3276800xi32, #tpu.memory_space<hbm>> -> memref<12800xi32, #tpu.memory_space<hbm>>
    %dma_wait3A_8 = tpu.memref_slice %arg3[%add3A_4] : memref<3276800xi32, #tpu.memory_space<hbm>> -> memref<12800xi32, #tpu.memory_space<hbm>>
    tpu.wait_dma2 semaphore(%arg10 : memref<!tpu.dma_semaphore, #tpu.memory_space<semaphore_mem>>) src(%dma_wait3A_8 : memref<12800xi32, #tpu.memory_space<hbm>>) dst(%arg6 : memref<12800xi32, #tpu.memory_space<vmem>>)
    %dma_start3A_9 = arith.constant 0 : i32
    %dma_start3A_10 = tpu.memref_slice %arg5[%dma_start3A_9] : memref<1048576xf32, #tpu.memory_space<vmem_shared>> -> memref<1048576xf32, #tpu.memory_space<vmem_shared>>
    tpu.enqueue_indirect_dma source(%dma_start3A_10 : memref<1048576xf32, #tpu.memory_space<vmem_shared>>) target(%arg8 : memref<12800xf32, #tpu.memory_space<vmem>>) offsets(%arg6 : memref<12800xi32, #tpu.memory_space<vmem>>) semaphore(%arg12 : memref<!tpu.dma_semaphore, #tpu.memory_space<semaphore_mem>>)
    %add3A_11 = arith.constant 12800 : i32
    %add3A_12 = arith.addi %mul3A_2, %add3A_11 : i32
    %dma_start3A_13 = tpu.memref_slice %arg3[%add3A_12] : memref<3276800xi32, #tpu.memory_space<hbm>> -> memref<12800xi32, #tpu.memory_space<hbm>>
    %dma_start3A_14 = tpu.memref_slice %arg3[%add3A_12] : memref<3276800xi32, #tpu.memory_space<hbm>> -> memref<12800xi32, #tpu.memory_space<hbm>>
    tpu.enqueue_dma source(%dma_start3A_14 : memref<12800xi32, #tpu.memory_space<hbm>>) target(%arg7 : memref<12800xi32, #tpu.memory_space<vmem>>) target_semaphore(%arg11 : memref<!tpu.dma_semaphore, #tpu.memory_space<semaphore_mem>>)
    %dma_wait3A_15 = tpu.memref_slice %arg3[%add3A_12] : memref<3276800xi32, #tpu.memory_space<hbm>> -> memref<12800xi32, #tpu.memory_space<hbm>>
    %dma_wait3A_16 = tpu.memref_slice %arg3[%add3A_12] : memref<3276800xi32, #tpu.memory_space<hbm>> -> memref<12800xi32, #tpu.memory_space<hbm>>
    tpu.wait_dma2 semaphore(%arg11 : memref<!tpu.dma_semaphore, #tpu.memory_space<semaphore_mem>>) src(%dma_wait3A_16 : memref<12800xi32, #tpu.memory_space<hbm>>) dst(%arg7 : memref<12800xi32, #tpu.memory_space<vmem>>)
    %dma_start3A_17 = arith.constant 0 : i32
    %dma_start3A_18 = tpu.memref_slice %arg5[%dma_start3A_17] : memref<1048576xf32, #tpu.memory_space<vmem_shared>> -> memref<1048576xf32, #tpu.memory_space<vmem_shared>>
    tpu.enqueue_indirect_dma source(%dma_start3A_18 : memref<1048576xf32, #tpu.memory_space<vmem_shared>>) target(%arg9 : memref<12800xf32, #tpu.memory_space<vmem>>) offsets(%arg7 : memref<12800xi32, #tpu.memory_space<vmem>>) semaphore(%arg13 : memref<!tpu.dma_semaphore, #tpu.memory_space<semaphore_mem>>)
    %dma_wait3A_19 = arith.constant 0 : i32
    %dma_wait3A_20 = tpu.memref_slice %arg5[%dma_wait3A_19] : memref<1048576xf32, #tpu.memory_space<vmem_shared>> -> memref<1048576xf32, #tpu.memory_space<vmem_shared>>
    tpu.wait_indirect_dma semaphore(%arg12 : memref<!tpu.dma_semaphore, #tpu.memory_space<semaphore_mem>>) src(%dma_wait3A_20 : memref<1048576xf32, #tpu.memory_space<vmem_shared>>) dst(%arg8 : memref<12800xf32, #tpu.memory_space<vmem>>)
    %add3A_21 = arith.constant 0 : i32
    %add3A_22 = arith.addi %mul3A_2, %add3A_21 : i32
    %dma_start3A_23 = tpu.memref_slice %arg4[%add3A_22] : memref<3276800xf32, #tpu.memory_space<hbm>> -> memref<12800xf32, #tpu.memory_space<hbm>>
    %dma_start3A_24 = tpu.memref_slice %arg4[%add3A_22] : memref<3276800xf32, #tpu.memory_space<hbm>> -> memref<12800xf32, #tpu.memory_space<hbm>>
    tpu.enqueue_dma source(%arg8 : memref<12800xf32, #tpu.memory_space<vmem>>) target(%dma_start3A_24 : memref<12800xf32, #tpu.memory_space<hbm>>) target_semaphore(%arg14 : memref<!tpu.dma_semaphore, #tpu.memory_space<semaphore_mem>>)
    %add3A_25 = arith.constant 25600 : i32
    %add3A_26 = arith.addi %mul3A_2, %add3A_25 : i32
    %dma_start3A_27 = tpu.memref_slice %arg3[%add3A_26] : memref<3276800xi32, #tpu.memory_space<hbm>> -> memref<12800xi32, #tpu.memory_space<hbm>>
    %dma_start3A_28 = tpu.memref_slice %arg3[%add3A_26] : memref<3276800xi32, #tpu.memory_space<hbm>> -> memref<12800xi32, #tpu.memory_space<hbm>>
    tpu.enqueue_dma source(%dma_start3A_28 : memref<12800xi32, #tpu.memory_space<hbm>>) target(%arg6 : memref<12800xi32, #tpu.memory_space<vmem>>) target_semaphore(%arg10 : memref<!tpu.dma_semaphore, #tpu.memory_space<semaphore_mem>>)
    %dma_wait3A_29 = tpu.memref_slice %arg3[%add3A_26] : memref<3276800xi32, #tpu.memory_space<hbm>> -> memref<12800xi32, #tpu.memory_space<hbm>>
    %dma_wait3A_30 = tpu.memref_slice %arg3[%add3A_26] : memref<3276800xi32, #tpu.memory_space<hbm>> -> memref<12800xi32, #tpu.memory_space<hbm>>
    tpu.wait_dma2 semaphore(%arg10 : memref<!tpu.dma_semaphore, #tpu.memory_space<semaphore_mem>>) src(%dma_wait3A_30 : memref<12800xi32, #tpu.memory_space<hbm>>) dst(%arg6 : memref<12800xi32, #tpu.memory_space<vmem>>)
    %dma_wait3A_31 = tpu.memref_slice %arg4[%add3A_22] : memref<3276800xf32, #tpu.memory_space<hbm>> -> memref<12800xf32, #tpu.memory_space<hbm>>
    %dma_wait3A_32 = tpu.memref_slice %arg4[%add3A_22] : memref<3276800xf32, #tpu.memory_space<hbm>> -> memref<12800xf32, #tpu.memory_space<hbm>>
    tpu.wait_dma2 semaphore(%arg14 : memref<!tpu.dma_semaphore, #tpu.memory_space<semaphore_mem>>) src(%arg8 : memref<12800xf32, #tpu.memory_space<vmem>>) dst(%dma_wait3A_32 : memref<12800xf32, #tpu.memory_space<hbm>>)
    %dma_start3A_33 = arith.constant 0 : i32
    %dma_start3A_34 = tpu.memref_slice %arg5[%dma_start3A_33] : memref<1048576xf32, #tpu.memory_space<vmem_shared>> -> memref<1048576xf32, #tpu.memory_space<vmem_shared>>
    tpu.enqueue_indirect_dma source(%dma_start3A_34 : memref<1048576xf32, #tpu.memory_space<vmem_shared>>) target(%arg8 : memref<12800xf32, #tpu.memory_space<vmem>>) offsets(%arg6 : memref<12800xi32, #tpu.memory_space<vmem>>) semaphore(%arg12 : memref<!tpu.dma_semaphore, #tpu.memory_space<semaphore_mem>>)
    %dma_wait3A_35 = arith.constant 0 : i32
    %dma_wait3A_36 = tpu.memref_slice %arg5[%dma_wait3A_35] : memref<1048576xf32, #tpu.memory_space<vmem_shared>> -> memref<1048576xf32, #tpu.memory_space<vmem_shared>>
    tpu.wait_indirect_dma semaphore(%arg13 : memref<!tpu.dma_semaphore, #tpu.memory_space<semaphore_mem>>) src(%dma_wait3A_36 : memref<1048576xf32, #tpu.memory_space<vmem_shared>>) dst(%arg9 : memref<12800xf32, #tpu.memory_space<vmem>>)
    %add3A_37 = arith.constant 12800 : i32
    %add3A_38 = arith.addi %mul3A_2, %add3A_37 : i32
    %dma_start3A_39 = tpu.memref_slice %arg4[%add3A_38] : memref<3276800xf32, #tpu.memory_space<hbm>> -> memref<12800xf32, #tpu.memory_space<hbm>>
    %dma_start3A_40 = tpu.memref_slice %arg4[%add3A_38] : memref<3276800xf32, #tpu.memory_space<hbm>> -> memref<12800xf32, #tpu.memory_space<hbm>>
    tpu.enqueue_dma source(%arg9 : memref<12800xf32, #tpu.memory_space<vmem>>) target(%dma_start3A_40 : memref<12800xf32, #tpu.memory_space<hbm>>) target_semaphore(%arg15 : memref<!tpu.dma_semaphore, #tpu.memory_space<semaphore_mem>>)
    %add3A_41 = arith.constant 38400 : i32
    %add3A_42 = arith.addi %mul3A_2, %add3A_41 : i32
    %dma_start3A_43 = tpu.memref_slice %arg3[%add3A_42] : memref<3276800xi32, #tpu.memory_space<hbm>> -> memref<12800xi32, #tpu.memory_space<hbm>>
    %dma_start3A_44 = tpu.memref_slice %arg3[%add3A_42] : memref<3276800xi32, #tpu.memory_space<hbm>> -> memref<12800xi32, #tpu.memory_space<hbm>>
    tpu.enqueue_dma source(%dma_start3A_44 : memref<12800xi32, #tpu.memory_space<hbm>>) target(%arg7 : memref<12800xi32, #tpu.memory_space<vmem>>) target_semaphore(%arg11 : memref<!tpu.dma_semaphore, #tpu.memory_space<semaphore_mem>>)
    %dma_wait3A_45 = tpu.memref_slice %arg3[%add3A_42] : memref<3276800xi32, #tpu.memory_space<hbm>> -> memref<12800xi32, #tpu.memory_space<hbm>>
    %dma_wait3A_46 = tpu.memref_slice %arg3[%add3A_42] : memref<3276800xi32, #tpu.memory_space<hbm>> -> memref<12800xi32, #tpu.memory_space<hbm>>
    tpu.wait_dma2 semaphore(%arg11 : memref<!tpu.dma_semaphore, #tpu.memory_space<semaphore_mem>>) src(%dma_wait3A_46 : memref<12800xi32, #tpu.memory_space<hbm>>) dst(%arg7 : memref<12800xi32, #tpu.memory_space<vmem>>)
    %dma_wait3A_47 = tpu.memref_slice %arg4[%add3A_38] : memref<3276800xf32, #tpu.memory_space<hbm>> -> memref<12800xf32, #tpu.memory_space<hbm>>
    %dma_wait3A_48 = tpu.memref_slice %arg4[%add3A_38] : memref<3276800xf32, #tpu.memory_space<hbm>> -> memref<12800xf32, #tpu.memory_space<hbm>>
    tpu.wait_dma2 semaphore(%arg15 : memref<!tpu.dma_semaphore, #tpu.memory_space<semaphore_mem>>) src(%arg9 : memref<12800xf32, #tpu.memory_space<vmem>>) dst(%dma_wait3A_48 : memref<12800xf32, #tpu.memory_space<hbm>>)
    %dma_start3A_49 = arith.constant 0 : i32
    %dma_start3A_50 = tpu.memref_slice %arg5[%dma_start3A_49] : memref<1048576xf32, #tpu.memory_space<vmem_shared>> -> memref<1048576xf32, #tpu.memory_space<vmem_shared>>
    tpu.enqueue_indirect_dma source(%dma_start3A_50 : memref<1048576xf32, #tpu.memory_space<vmem_shared>>) target(%arg9 : memref<12800xf32, #tpu.memory_space<vmem>>) offsets(%arg7 : memref<12800xi32, #tpu.memory_space<vmem>>) semaphore(%arg13 : memref<!tpu.dma_semaphore, #tpu.memory_space<semaphore_mem>>)
    %dma_wait3A_51 = arith.constant 0 : i32
    %dma_wait3A_52 = tpu.memref_slice %arg5[%dma_wait3A_51] : memref<1048576xf32, #tpu.memory_space<vmem_shared>> -> memref<1048576xf32, #tpu.memory_space<vmem_shared>>
    tpu.wait_indirect_dma semaphore(%arg12 : memref<!tpu.dma_semaphore, #tpu.memory_space<semaphore_mem>>) src(%dma_wait3A_52 : memref<1048576xf32, #tpu.memory_space<vmem_shared>>) dst(%arg8 : memref<12800xf32, #tpu.memory_space<vmem>>)
    %add3A_53 = arith.constant 25600 : i32
    %add3A_54 = arith.addi %mul3A_2, %add3A_53 : i32
    %dma_start3A_55 = tpu.memref_slice %arg4[%add3A_54] : memref<3276800xf32, #tpu.memory_space<hbm>> -> memref<12800xf32, #tpu.memory_space<hbm>>
    %dma_start3A_56 = tpu.memref_slice %arg4[%add3A_54] : memref<3276800xf32, #tpu.memory_space<hbm>> -> memref<12800xf32, #tpu.memory_space<hbm>>
    tpu.enqueue_dma source(%arg8 : memref<12800xf32, #tpu.memory_space<vmem>>) target(%dma_start3A_56 : memref<12800xf32, #tpu.memory_space<hbm>>) target_semaphore(%arg14 : memref<!tpu.dma_semaphore, #tpu.memory_space<semaphore_mem>>)
    %add3A_57 = arith.constant 51200 : i32
    %add3A_58 = arith.addi %mul3A_2, %add3A_57 : i32
    %dma_start3A_59 = tpu.memref_slice %arg3[%add3A_58] : memref<3276800xi32, #tpu.memory_space<hbm>> -> memref<12800xi32, #tpu.memory_space<hbm>>
    %dma_start3A_60 = tpu.memref_slice %arg3[%add3A_58] : memref<3276800xi32, #tpu.memory_space<hbm>> -> memref<12800xi32, #tpu.memory_space<hbm>>
    tpu.enqueue_dma source(%dma_start3A_60 : memref<12800xi32, #tpu.memory_space<hbm>>) target(%arg6 : memref<12800xi32, #tpu.memory_space<vmem>>) target_semaphore(%arg10 : memref<!tpu.dma_semaphore, #tpu.memory_space<semaphore_mem>>)
    %dma_wait3A_61 = tpu.memref_slice %arg3[%add3A_58] : memref<3276800xi32, #tpu.memory_space<hbm>> -> memref<12800xi32, #tpu.memory_space<hbm>>
    %dma_wait3A_62 = tpu.memref_slice %arg3[%add3A_58] : memref<3276800xi32, #tpu.memory_space<hbm>> -> memref<12800xi32, #tpu.memory_space<hbm>>
    tpu.wait_dma2 semaphore(%arg10 : memref<!tpu.dma_semaphore, #tpu.memory_space<semaphore_mem>>) src(%dma_wait3A_62 : memref<12800xi32, #tpu.memory_space<hbm>>) dst(%arg6 : memref<12800xi32, #tpu.memory_space<vmem>>)
    %dma_wait3A_63 = tpu.memref_slice %arg4[%add3A_54] : memref<3276800xf32, #tpu.memory_space<hbm>> -> memref<12800xf32, #tpu.memory_space<hbm>>
    %dma_wait3A_64 = tpu.memref_slice %arg4[%add3A_54] : memref<3276800xf32, #tpu.memory_space<hbm>> -> memref<12800xf32, #tpu.memory_space<hbm>>
    tpu.wait_dma2 semaphore(%arg14 : memref<!tpu.dma_semaphore, #tpu.memory_space<semaphore_mem>>) src(%arg8 : memref<12800xf32, #tpu.memory_space<vmem>>) dst(%dma_wait3A_64 : memref<12800xf32, #tpu.memory_space<hbm>>)
    %dma_start3A_65 = arith.constant 0 : i32
    %dma_start3A_66 = tpu.memref_slice %arg5[%dma_start3A_65] : memref<1048576xf32, #tpu.memory_space<vmem_shared>> -> memref<1048576xf32, #tpu.memory_space<vmem_shared>>
    tpu.enqueue_indirect_dma source(%dma_start3A_66 : memref<1048576xf32, #tpu.memory_space<vmem_shared>>) target(%arg8 : memref<12800xf32, #tpu.memory_space<vmem>>) offsets(%arg6 : memref<12800xi32, #tpu.memory_space<vmem>>) semaphore(%arg12 : memref<!tpu.dma_semaphore, #tpu.memory_space<semaphore_mem>>)
    %dma_wait3A_67 = arith.constant 0 : i32
    %dma_wait3A_68 = tpu.memref_slice %arg5[%dma_wait3A_67] : memref<1048576xf32, #tpu.memory_space<vmem_shared>> -> memref<1048576xf32, #tpu.memory_space<vmem_shared>>
    tpu.wait_indirect_dma semaphore(%arg13 : memref<!tpu.dma_semaphore, #tpu.memory_space<semaphore_mem>>) src(%dma_wait3A_68 : memref<1048576xf32, #tpu.memory_space<vmem_shared>>) dst(%arg9 : memref<12800xf32, #tpu.memory_space<vmem>>)
    %add3A_69 = arith.constant 38400 : i32
    %add3A_70 = arith.addi %mul3A_2, %add3A_69 : i32
    %dma_start3A_71 = tpu.memref_slice %arg4[%add3A_70] : memref<3276800xf32, #tpu.memory_space<hbm>> -> memref<12800xf32, #tpu.memory_space<hbm>>
    %dma_start3A_72 = tpu.memref_slice %arg4[%add3A_70] : memref<3276800xf32, #tpu.memory_space<hbm>> -> memref<12800xf32, #tpu.memory_space<hbm>>
    tpu.enqueue_dma source(%arg9 : memref<12800xf32, #tpu.memory_space<vmem>>) target(%dma_start3A_72 : memref<12800xf32, #tpu.memory_space<hbm>>) target_semaphore(%arg15 : memref<!tpu.dma_semaphore, #tpu.memory_space<semaphore_mem>>)
    %add3A_73 = arith.constant 64000 : i32
    %add3A_74 = arith.addi %mul3A_2, %add3A_73 : i32
    %dma_start3A_75 = tpu.memref_slice %arg3[%add3A_74] : memref<3276800xi32, #tpu.memory_space<hbm>> -> memref<12800xi32, #tpu.memory_space<hbm>>
    %dma_start3A_76 = tpu.memref_slice %arg3[%add3A_74] : memref<3276800xi32, #tpu.memory_space<hbm>> -> memref<12800xi32, #tpu.memory_space<hbm>>
    tpu.enqueue_dma source(%dma_start3A_76 : memref<12800xi32, #tpu.memory_space<hbm>>) target(%arg7 : memref<12800xi32, #tpu.memory_space<vmem>>) target_semaphore(%arg11 : memref<!tpu.dma_semaphore, #tpu.memory_space<semaphore_mem>>)
    %dma_wait3A_77 = tpu.memref_slice %arg3[%add3A_74] : memref<3276800xi32, #tpu.memory_space<hbm>> -> memref<12800xi32, #tpu.memory_space<hbm>>
    %dma_wait3A_78 = tpu.memref_slice %arg3[%add3A_74] : memref<3276800xi32, #tpu.memory_space<hbm>> -> memref<12800xi32, #tpu.memory_space<hbm>>
    tpu.wait_dma2 semaphore(%arg11 : memref<!tpu.dma_semaphore, #tpu.memory_space<semaphore_mem>>) src(%dma_wait3A_78 : memref<12800xi32, #tpu.memory_space<hbm>>) dst(%arg7 : memref<12800xi32, #tpu.memory_space<vmem>>)
    %dma_wait3A_79 = tpu.memref_slice %arg4[%add3A_70] : memref<3276800xf32, #tpu.memory_space<hbm>> -> memref<12800xf32, #tpu.memory_space<hbm>>
    %dma_wait3A_80 = tpu.memref_slice %arg4[%add3A_70] : memref<3276800xf32, #tpu.memory_space<hbm>> -> memref<12800xf32, #tpu.memory_space<hbm>>
    tpu.wait_dma2 semaphore(%arg15 : memref<!tpu.dma_semaphore, #tpu.memory_space<semaphore_mem>>) src(%arg9 : memref<12800xf32, #tpu.memory_space<vmem>>) dst(%dma_wait3A_80 : memref<12800xf32, #tpu.memory_space<hbm>>)
    %dma_start3A_81 = arith.constant 0 : i32
    %dma_start3A_82 = tpu.memref_slice %arg5[%dma_start3A_81] : memref<1048576xf32, #tpu.memory_space<vmem_shared>> -> memref<1048576xf32, #tpu.memory_space<vmem_shared>>
    tpu.enqueue_indirect_dma source(%dma_start3A_82 : memref<1048576xf32, #tpu.memory_space<vmem_shared>>) target(%arg9 : memref<12800xf32, #tpu.memory_space<vmem>>) offsets(%arg7 : memref<12800xi32, #tpu.memory_space<vmem>>) semaphore(%arg13 : memref<!tpu.dma_semaphore, #tpu.memory_space<semaphore_mem>>)
    %dma_wait3A_83 = arith.constant 0 : i32
    %dma_wait3A_84 = tpu.memref_slice %arg5[%dma_wait3A_83] : memref<1048576xf32, #tpu.memory_space<vmem_shared>> -> memref<1048576xf32, #tpu.memory_space<vmem_shared>>
    tpu.wait_indirect_dma semaphore(%arg12 : memref<!tpu.dma_semaphore, #tpu.memory_space<semaphore_mem>>) src(%dma_wait3A_84 : memref<1048576xf32, #tpu.memory_space<vmem_shared>>) dst(%arg8 : memref<12800xf32, #tpu.memory_space<vmem>>)
    %add3A_85 = arith.constant 51200 : i32
    %add3A_86 = arith.addi %mul3A_2, %add3A_85 : i32
    %dma_start3A_87 = tpu.memref_slice %arg4[%add3A_86] : memref<3276800xf32, #tpu.memory_space<hbm>> -> memref<12800xf32, #tpu.memory_space<hbm>>
    %dma_start3A_88 = tpu.memref_slice %arg4[%add3A_86] : memref<3276800xf32, #tpu.memory_space<hbm>> -> memref<12800xf32, #tpu.memory_space<hbm>>
    tpu.enqueue_dma source(%arg8 : memref<12800xf32, #tpu.memory_space<vmem>>) target(%dma_start3A_88 : memref<12800xf32, #tpu.memory_space<hbm>>) target_semaphore(%arg14 : memref<!tpu.dma_semaphore, #tpu.memory_space<semaphore_mem>>)
    %add3A_89 = arith.constant 76800 : i32
    %add3A_90 = arith.addi %mul3A_2, %add3A_89 : i32
    %dma_start3A_91 = tpu.memref_slice %arg3[%add3A_90] : memref<3276800xi32, #tpu.memory_space<hbm>> -> memref<12800xi32, #tpu.memory_space<hbm>>
    %dma_start3A_92 = tpu.memref_slice %arg3[%add3A_90] : memref<3276800xi32, #tpu.memory_space<hbm>> -> memref<12800xi32, #tpu.memory_space<hbm>>
    tpu.enqueue_dma source(%dma_start3A_92 : memref<12800xi32, #tpu.memory_space<hbm>>) target(%arg6 : memref<12800xi32, #tpu.memory_space<vmem>>) target_semaphore(%arg10 : memref<!tpu.dma_semaphore, #tpu.memory_space<semaphore_mem>>)
    %dma_wait3A_93 = tpu.memref_slice %arg3[%add3A_90] : memref<3276800xi32, #tpu.memory_space<hbm>> -> memref<12800xi32, #tpu.memory_space<hbm>>
    %dma_wait3A_94 = tpu.memref_slice %arg3[%add3A_90] : memref<3276800xi32, #tpu.memory_space<hbm>> -> memref<12800xi32, #tpu.memory_space<hbm>>
    tpu.wait_dma2 semaphore(%arg10 : memref<!tpu.dma_semaphore, #tpu.memory_space<semaphore_mem>>) src(%dma_wait3A_94 : memref<12800xi32, #tpu.memory_space<hbm>>) dst(%arg6 : memref<12800xi32, #tpu.memory_space<vmem>>)
    %dma_wait3A_95 = tpu.memref_slice %arg4[%add3A_86] : memref<3276800xf32, #tpu.memory_space<hbm>> -> memref<12800xf32, #tpu.memory_space<hbm>>
    %dma_wait3A_96 = tpu.memref_slice %arg4[%add3A_86] : memref<3276800xf32, #tpu.memory_space<hbm>> -> memref<12800xf32, #tpu.memory_space<hbm>>
    tpu.wait_dma2 semaphore(%arg14 : memref<!tpu.dma_semaphore, #tpu.memory_space<semaphore_mem>>) src(%arg8 : memref<12800xf32, #tpu.memory_space<vmem>>) dst(%dma_wait3A_96 : memref<12800xf32, #tpu.memory_space<hbm>>)
    %dma_start3A_97 = arith.constant 0 : i32
    %dma_start3A_98 = tpu.memref_slice %arg5[%dma_start3A_97] : memref<1048576xf32, #tpu.memory_space<vmem_shared>> -> memref<1048576xf32, #tpu.memory_space<vmem_shared>>
    tpu.enqueue_indirect_dma source(%dma_start3A_98 : memref<1048576xf32, #tpu.memory_space<vmem_shared>>) target(%arg8 : memref<12800xf32, #tpu.memory_space<vmem>>) offsets(%arg6 : memref<12800xi32, #tpu.memory_space<vmem>>) semaphore(%arg12 : memref<!tpu.dma_semaphore, #tpu.memory_space<semaphore_mem>>)
    %dma_wait3A_99 = arith.constant 0 : i32
    %dma_wait3A_100 = tpu.memref_slice %arg5[%dma_wait3A_99] : memref<1048576xf32, #tpu.memory_space<vmem_shared>> -> memref<1048576xf32, #tpu.memory_space<vmem_shared>>
    tpu.wait_indirect_dma semaphore(%arg13 : memref<!tpu.dma_semaphore, #tpu.memory_space<semaphore_mem>>) src(%dma_wait3A_100 : memref<1048576xf32, #tpu.memory_space<vmem_shared>>) dst(%arg9 : memref<12800xf32, #tpu.memory_space<vmem>>)
    %add3A_101 = arith.constant 64000 : i32
    %add3A_102 = arith.addi %mul3A_2, %add3A_101 : i32
    %dma_start3A_103 = tpu.memref_slice %arg4[%add3A_102] : memref<3276800xf32, #tpu.memory_space<hbm>> -> memref<12800xf32, #tpu.memory_space<hbm>>
    %dma_start3A_104 = tpu.memref_slice %arg4[%add3A_102] : memref<3276800xf32, #tpu.memory_space<hbm>> -> memref<12800xf32, #tpu.memory_space<hbm>>
    tpu.enqueue_dma source(%arg9 : memref<12800xf32, #tpu.memory_space<vmem>>) target(%dma_start3A_104 : memref<12800xf32, #tpu.memory_space<hbm>>) target_semaphore(%arg15 : memref<!tpu.dma_semaphore, #tpu.memory_space<semaphore_mem>>)
    %add3A_105 = arith.constant 89600 : i32
    %add3A_106 = arith.addi %mul3A_2, %add3A_105 : i32
    %dma_start3A_107 = tpu.memref_slice %arg3[%add3A_106] : memref<3276800xi32, #tpu.memory_space<hbm>> -> memref<12800xi32, #tpu.memory_space<hbm>>
    %dma_start3A_108 = tpu.memref_slice %arg3[%add3A_106] : memref<3276800xi32, #tpu.memory_space<hbm>> -> memref<12800xi32, #tpu.memory_space<hbm>>
    tpu.enqueue_dma source(%dma_start3A_108 : memref<12800xi32, #tpu.memory_space<hbm>>) target(%arg7 : memref<12800xi32, #tpu.memory_space<vmem>>) target_semaphore(%arg11 : memref<!tpu.dma_semaphore, #tpu.memory_space<semaphore_mem>>)
    %dma_wait3A_109 = tpu.memref_slice %arg3[%add3A_106] : memref<3276800xi32, #tpu.memory_space<hbm>> -> memref<12800xi32, #tpu.memory_space<hbm>>
    %dma_wait3A_110 = tpu.memref_slice %arg3[%add3A_106] : memref<3276800xi32, #tpu.memory_space<hbm>> -> memref<12800xi32, #tpu.memory_space<hbm>>
    tpu.wait_dma2 semaphore(%arg11 : memref<!tpu.dma_semaphore, #tpu.memory_space<semaphore_mem>>) src(%dma_wait3A_110 : memref<12800xi32, #tpu.memory_space<hbm>>) dst(%arg7 : memref<12800xi32, #tpu.memory_space<vmem>>)
    %dma_wait3A_111 = tpu.memref_slice %arg4[%add3A_102] : memref<3276800xf32, #tpu.memory_space<hbm>> -> memref<12800xf32, #tpu.memory_space<hbm>>
    %dma_wait3A_112 = tpu.memref_slice %arg4[%add3A_102] : memref<3276800xf32, #tpu.memory_space<hbm>> -> memref<12800xf32, #tpu.memory_space<hbm>>
    tpu.wait_dma2 semaphore(%arg15 : memref<!tpu.dma_semaphore, #tpu.memory_space<semaphore_mem>>) src(%arg9 : memref<12800xf32, #tpu.memory_space<vmem>>) dst(%dma_wait3A_112 : memref<12800xf32, #tpu.memory_space<hbm>>)
    %dma_start3A_113 = arith.constant 0 : i32
    %dma_start3A_114 = tpu.memref_slice %arg5[%dma_start3A_113] : memref<1048576xf32, #tpu.memory_space<vmem_shared>> -> memref<1048576xf32, #tpu.memory_space<vmem_shared>>
    tpu.enqueue_indirect_dma source(%dma_start3A_114 : memref<1048576xf32, #tpu.memory_space<vmem_shared>>) target(%arg9 : memref<12800xf32, #tpu.memory_space<vmem>>) offsets(%arg7 : memref<12800xi32, #tpu.memory_space<vmem>>) semaphore(%arg13 : memref<!tpu.dma_semaphore, #tpu.memory_space<semaphore_mem>>)
    %dma_wait3A_115 = arith.constant 0 : i32
    %dma_wait3A_116 = tpu.memref_slice %arg5[%dma_wait3A_115] : memref<1048576xf32, #tpu.memory_space<vmem_shared>> -> memref<1048576xf32, #tpu.memory_space<vmem_shared>>
    tpu.wait_indirect_dma semaphore(%arg12 : memref<!tpu.dma_semaphore, #tpu.memory_space<semaphore_mem>>) src(%dma_wait3A_116 : memref<1048576xf32, #tpu.memory_space<vmem_shared>>) dst(%arg8 : memref<12800xf32, #tpu.memory_space<vmem>>)
    %add3A_117 = arith.constant 76800 : i32
    %add3A_118 = arith.addi %mul3A_2, %add3A_117 : i32
    %dma_start3A_119 = tpu.memref_slice %arg4[%add3A_118] : memref<3276800xf32, #tpu.memory_space<hbm>> -> memref<12800xf32, #tpu.memory_space<hbm>>
    %dma_start3A_120 = tpu.memref_slice %arg4[%add3A_118] : memref<3276800xf32, #tpu.memory_space<hbm>> -> memref<12800xf32, #tpu.memory_space<hbm>>
    tpu.enqueue_dma source(%arg8 : memref<12800xf32, #tpu.memory_space<vmem>>) target(%dma_start3A_120 : memref<12800xf32, #tpu.memory_space<hbm>>) target_semaphore(%arg14 : memref<!tpu.dma_semaphore, #tpu.memory_space<semaphore_mem>>)
    %dma_wait3A_121 = arith.constant 0 : i32
    %dma_wait3A_122 = tpu.memref_slice %arg5[%dma_wait3A_121] : memref<1048576xf32, #tpu.memory_space<vmem_shared>> -> memref<1048576xf32, #tpu.memory_space<vmem_shared>>
    tpu.wait_indirect_dma semaphore(%arg13 : memref<!tpu.dma_semaphore, #tpu.memory_space<semaphore_mem>>) src(%dma_wait3A_122 : memref<1048576xf32, #tpu.memory_space<vmem_shared>>) dst(%arg9 : memref<12800xf32, #tpu.memory_space<vmem>>)
    %add3A_123 = arith.constant 89600 : i32
    %add3A_124 = arith.addi %mul3A_2, %add3A_123 : i32
    %dma_start3A_125 = tpu.memref_slice %arg4[%add3A_124] : memref<3276800xf32, #tpu.memory_space<hbm>> -> memref<12800xf32, #tpu.memory_space<hbm>>
    %dma_start3A_126 = tpu.memref_slice %arg4[%add3A_124] : memref<3276800xf32, #tpu.memory_space<hbm>> -> memref<12800xf32, #tpu.memory_space<hbm>>
    tpu.enqueue_dma source(%arg9 : memref<12800xf32, #tpu.memory_space<vmem>>) target(%dma_start3A_126 : memref<12800xf32, #tpu.memory_space<hbm>>) target_semaphore(%arg15 : memref<!tpu.dma_semaphore, #tpu.memory_space<semaphore_mem>>)
    %dma_wait3A_127 = tpu.memref_slice %arg4[%add3A_118] : memref<3276800xf32, #tpu.memory_space<hbm>> -> memref<12800xf32, #tpu.memory_space<hbm>>
    %dma_wait3A_128 = tpu.memref_slice %arg4[%add3A_118] : memref<3276800xf32, #tpu.memory_space<hbm>> -> memref<12800xf32, #tpu.memory_space<hbm>>
    tpu.wait_dma2 semaphore(%arg14 : memref<!tpu.dma_semaphore, #tpu.memory_space<semaphore_mem>>) src(%arg8 : memref<12800xf32, #tpu.memory_space<vmem>>) dst(%dma_wait3A_128 : memref<12800xf32, #tpu.memory_space<hbm>>)
    %dma_wait3A_129 = tpu.memref_slice %arg4[%add3A_124] : memref<3276800xf32, #tpu.memory_space<hbm>> -> memref<12800xf32, #tpu.memory_space<hbm>>
    %dma_wait3A_130 = tpu.memref_slice %arg4[%add3A_124] : memref<3276800xf32, #tpu.memory_space<hbm>> -> memref<12800xf32, #tpu.memory_space<hbm>>
    tpu.wait_dma2 semaphore(%arg15 : memref<!tpu.dma_semaphore, #tpu.memory_space<semaphore_mem>>) src(%arg9 : memref<12800xf32, #tpu.memory_space<vmem>>) dst(%dma_wait3A_130 : memref<12800xf32, #tpu.memory_space<hbm>>)
    return
  }
}

</mosaic_0001>

<sc_bundles>
// kernel: _sc_gather.3.cloned.1.call-start
scs
__scs_entry_jumppad:
0x0: {  	(pc) =	sbr.rel $0x88, $3  }
0x1: {  	(tag) =	ssettag $0x0;
	lr =	simm.s32 $0x1  }
0x2: {  	[smem:$0x3F9F] =	sst lr;
	_ =	strace $0xD0000000  }
0x3: {  	_ = 	snop  }
0x4: {  	_ = 	snop  }
0x5: {  	_ = 	snop  }
0x6: {  	_ = 	snop  }
0x7: {  	_ = 	snop  }
__scs_overlays_trampoline_lowered:
0x8: {  	[smem:$0x3FAE] =	sst s0  }
0x9: {  	[smem:$0x3FAF] =	sst s1  }
0xa: {  	[smem:$0x3FB0] =	sst s2  }
0xb: {  	[smem:$0x3FB1] =	sst s3  }
0xc: {  	[smem:$0x3FB2] =	sst s4  }
0xd: {  	[smem:$0x3FB3] =	sst s5  }
0xe: {  	[smem:$0x3FB4] =	sst s6  }
0xf: {  	[smem:$0x3FB5] =	sst s7  }
0x10: {  	[smem:$0x3FB6] =	sst s8  }
0x11: {  	[smem:$0x3FB7] =	sst s9;
	s0 =	simm.s32 @!p0 $0x0  }
0x12: {  	s1 =	sld [smem:$0x3F9D];
	s0 =	simm.s32 @p0 $0x1  }
0x13: {  	[smem:$0x3FB8] =	sst s0;
	s0 =	simm.s32 @!p1 $0x0  }
0x14: {  	s2 =	sld [smem:$0x3F9C];
	s0 =	simm.s32 @p1 $0x1  }
0x15: {  	[smem:$0x3FB9] =	sst s0;
	s0 =	simm.s32 @!p2 $0x0  }
0x16: {  	s3 =	sld [smem:$0x3FDB];
	s0 =	simm.s32 @p2 $0x1  }
0x17: {  	s4 =	simm.s32 $0x1BF5;
	[smem:$0x3FBB] =	sst s0  }
0x18: {  	s0 =	sld [smem:$0x3F9E];
	_ =	swait.ge [sflag:s4], $0x0  }
0x19: {  	s7 =	sld [smem:$0x3F9F]  }
0x1a: {  	s8 =	sadd.s32 $0xFFFFE003, lr  }
0x1b: {  	s9 =	sadd.s32 $0xFFFFFEF7, lr;
	s5 =	simm.s32 $0xFFFFFFFF;
	p2 =	slt.u32 s8, $0xFFFFF086  }
0x1c: {  	p1 =	slt.u32 s9, $0xF7A;
	s5 =	simm.s32 @!p2 $0x0  }
0x1d: {  	s5 =	simm.s32 @p1 $0x1;
	p0 =	seq.s32 s7, s2  }
0x1e: {  	s7 =	smul.u32 @!p0 $0xF7A, s2;
	p2 =	seq.s32 @!p0 s5, $0x0  }
0x1f: {  	s9 =	smul.u32 $0xF7A, s1;
	s8 =	simm.s32 @!p0 $0x1BF5;
	p2 =	por !p2, p0  }
0x20: {  	[sflag:s8] =	ssyncset.s32 @!p0 $0xFFFFF086;
	s6 =	sadd.s32 @!p0 s3, s7;
	s7 =	simm.s32 @!p0 $0x108  }
0x21: {  	s3 =	sadd.s32 s3, s9;
	s6 =	sadd.s32 @!p0 $0x88, s6;
	s7 =	simm.s32 @p2 $0x1082  }
0x22: {  	[simem:s7], [sflag:s8] =	dma.local @!p0 [hbm:s6], $0xF7A  }
0x23: {  	s9 =	sor.u32 $0xD0000000, s2;
	s6 =	simm.s32 $0x108;
	_ =	swait.ge @!p0 [sflag:s8], $0x0  }
0x24: {  	s3 =	sadd.s32 $0x88, s3;
	s6 =	simm.s32 @!p1 $0x1082;
	[sflag:s4] =	ssyncset.s32 $0xFFFFF086  }
0x25: {  	[simem:s6], [sflag:s4] =	dma.local [hbm:s3], $0xF7A  }
0x26: {  	[smem:$0x3F9F] =	sst s1;
	(tag) =	ssettag s2;
	_ =	strace s9  }
0x27: {  	s1 =	sld [smem:$0x3FAF]  }
0x28: {  	s2 =	sld [smem:$0x3FB0]  }
0x29: {  	s4 =	sld [smem:$0x3FB2]  }
0x2a: {  	p0 =	seq.s32 s5, $0x0;
	s5 =	sld [smem:$0x3FB3]  }
0x2b: {  	s6 =	sld [smem:$0x3FB4]  }
0x2c: {  	s7 =	sld [smem:$0x3FB5]  }
0x2d: {  	s3 =	simm.s32 $0x108;
	s8 =	sld [smem:$0x3FB6]  }
0x2e: {  	s3 =	simm.s32 @!p0 $0x1082;
	s9 =	sld [smem:$0x3FB7]  }
0x2f: {  	lr =	sadd.s32 s0, s3;
	s0 =	sld [smem:$0x3FAE]  }
0x30: {  	s3 =	sld [smem:$0x3FB1]  }
0x31: {  	[smem:$0x3FBA] =	sst s10  }
0x32: {  	s10 =	sld [smem:$0x3FB8];
	_ =	sdelay $0x3  }
0x33: {  	p0 =	seq.s32 s10, $0x1;
	s10 =	sld [smem:$0x3FBA];
	_ =	sdelay $0x3  }
0x34: {  	[smem:$0x3FBA] =	sst s10  }
0x35: {  	s10 =	sld [smem:$0x3FB9];
	_ =	sdelay $0x3  }
0x36: {  	p1 =	seq.s32 s10, $0x1;
	s10 =	sld [smem:$0x3FBA];
	_ =	sdelay $0x3  }
0x37: {  	[smem:$0x3FBA] =	sst s10  }
0x38: {  	s10 =	sld [smem:$0x3FBB]  }
0x39: {  	_ = 	snop;
	(pc) =	sbr.ind lr, $3  }
0x3a: {  	_ = 	snop  }
0x3b: {  	_ = 	snop  }
0x3c: {  	p2 =	seq.s32 s10, $0x1;
	s10 =	sld [smem:$0x3FBA]  }
0x3d: {  	_ =	shalt  }
0x3e: {  	_ =	shalt  }
0x3f: {  	_ =	shalt  }
0x40: {  	_ =	shalt  }
0x41: {  	_ =	shalt  }
0x42: {  	_ =	shalt  }
0x43: {  	_ =	shalt  }
0x44: {  	_ =	shalt  }
0x45: {  	_ =	shalt  }
0x46: {  	_ =	shalt  }
0x47: {  	_ =	shalt  }
0x48: {  	_ =	shalt  }
0x49: {  	_ =	shalt  }
0x4a: {  	_ =	shalt  }
0x4b: {  	_ =	shalt  }
0x4c: {  	_ =	shalt  }
0x4d: {  	_ =	shalt  }
0x4e: {  	_ =	shalt  }
0x4f: {  	_ =	shalt  }
0x50: {  	_ =	shalt  }
0x51: {  	_ =	shalt  }
0x52: {  	_ =	shalt  }
0x53: {  	_ =	shalt  }
0x54: {  	_ =	shalt  }
0x55: {  	_ =	shalt  }
0x56: {  	_ =	shalt  }
0x57: {  	_ =	shalt  }
0x58: {  	_ =	shalt  }
0x59: {  	_ =	shalt  }
0x5a: {  	_ =	shalt  }
0x5b: {  	_ =	shalt  }
0x5c: {  	_ =	shalt  }
0x5d: {  	_ =	shalt  }
0x5e: {  	_ =	shalt  }
0x5f: {  	_ =	shalt  }
0x60: {  	_ =	shalt  }
0x61: {  	_ =	shalt  }
0x62: {  	_ =	shalt  }
0x63: {  	_ =	shalt  }
0x64: {  	_ =	shalt  }
0x65: {  	_ =	shalt  }
0x66: {  	_ =	shalt  }
0x67: {  	_ =	shalt  }
0x68: {  	_ =	shalt  }
0x69: {  	_ =	shalt  }
0x6a: {  	_ =	shalt  }
0x6b: {  	_ =	shalt  }
0x6c: {  	_ =	shalt  }
0x6d: {  	_ =	shalt  }
0x6e: {  	_ =	shalt  }
0x6f: {  	_ =	shalt  }
0x70: {  	_ =	shalt  }
0x71: {  	_ =	shalt  }
0x72: {  	_ =	shalt  }
0x73: {  	_ =	shalt  }
0x74: {  	_ =	shalt  }
0x75: {  	_ =	shalt  }
0x76: {  	_ =	shalt  }
0x77: {  	_ =	shalt  }
0x78: {  	_ =	shalt  }
0x79: {  	_ =	shalt  }
0x7a: {  	_ =	shalt  }
0x7b: {  	_ =	shalt  }
0x7c: {  	_ =	shalt  }
0x7d: {  	_ =	shalt  }
0x7e: {  	_ =	shalt  }
0x7f: {  	_ =	shalt  }
0x80: {  	_ =	shalt  }
0x81: {  	_ =	shalt  }
0x82: {  	_ =	shalt  }
0x83: {  	_ =	shalt  }
0x84: {  	_ =	shalt  }
0x85: {  	_ =	shalt  }
0x86: {  	_ =	shalt  }
0x87: {  	_ =	shalt  }
.Lfunc_end0:
.L_simem_size_0:
called_computation_lowered:
.L_overlay_start_0:
0x88: {  	s2 =	sld [smem:$0x3FD9]  }
0x89: {  	s3 =	sld [smem:$0x3FFE];
	_ =	sdelay $0x1  }
0x8a: {  	s1 =	srdreg.scid  }
0x8b: {  	s0 =	sand.u32 $0x1, s1  }
0x8c: {  	s18 =	sshll.u32 s0, $0xA;
	s2 =	sadd.s32 s3, s2  }
0x8d: {  	s2 =	sadd.s32 s2, s18  }
0x8e: {  	[smem:$0x3FC6] =	sst s2  }
0x8f: {  	_ = 	snop  }
0x90: {  	s2 =	sld [smem:$0x3FC9]  }
0x91: {  	s19 =	sld [smem:$0x3FC8]  }
0x92: {  	s4 =	sld [smem:$0x3FD0];
	(tm) =	ssettm $0x1  }
0x93: {  	s5 =	sld [smem:$0x3FFB];
	_ =	sdelay $0x3  }
0x94: {  	_ =	strace s5  }
0x95: {  	s5 =	sld [smem:$0x3FFC];
	_ =	sdelay $0x3  }
0x96: {  	_ =	strace s5  }
0x97: {  	s5 =	sld [smem:$0x3FFD];
	_ =	sdelay $0x3  }
0x98: {  	_ =	strace s5  }
0x99: {  	_ =	strace $0x8FFFFFFF  }
0x9a: {  	s20 =	sld [smem:$0x3FDB];
	_ =	sdelay $0x1  }
0x9b: {  	s6 =	simm.s32 $_scs_section_size  }
0x9c: {  	s7 =	simm.s32 $_size__tile_overlayer_lowered;
	s8 =	simm.s32 $_tile_overlayer_lowered  }
0x9d: {  	s23 =	simm.s32 $0x1BFF;
	s22 =	sshll.u32 s8, $0x1;
	s5 =	sadd.s32 s6, s20  }
0x9e: {  	s9 =	simm.s32 $0x0;
	s21 =	sshll.u32 s7, $0x1;
	s7 =	sadd.s32 s22, s5  }
0x9f: {  	[timem:s9], [sflag:s23] =	dma.local [hbm:s7], s21  }
0xa0: {  	_ =	swait.ge [sflag:s23], s21  }
0xa1: {  	s6 =	ssub.s32 $0x0, s21;
	[sflag:s23] =	ssyncset.done $0x0  }
0xa2: {  	[sflag:s23] =	ssyncadd.s32 s6;
	_ =	sdelay $0x1  }
0xa3: {  	s24 =	simm.s32 $0x1B8B  }
0xa4: {  	_ =	swait.ge [sflag:s24], $0x1  }
0xa5: {  	[sflag:s24] =	ssyncset.done $0x0  }
0xa6: {  	s25 =	simm.s32 $0x1B8E;
	[sflag:s24] =	ssyncadd.s32 $0xFFFFFFFF  }
0xa7: {  	s26 =	simm.s32 $execute0_lowered;
	[smem:$0x3FD2] =	sst s25  }
0xa8: {  	s6 =	sshll.u32 s26, $0x1;
	_ =	strace $0x80000046;
	[dreg:$0x1] =	wrdreg $0xFFFFFFFF  }
0xa9: {  	s28 =	simm.s32 $_size_execute0_lowered;
	s5 =	sadd.s32 s5, s6;
	[dreg:$0x0] =	wrdreg $0x0  }
0xaa: {  	s6 =	sshll.u32 s28, $0x1;
	[dreg:$0x2] =	wrdreg s5  }
0xab: {  	[dreg:$0x3] =	wrdreg s6  }
0xac: {  	[dreg:$0x4] =	wrdreg $0xC0  }
0xad: {  	_ =	task [dreg:s9], $0x5FFFF  }
0xae: {  	[dreg:$0x1] =	wrdreg $0xFFFFFFFF  }
0xaf: {  	[dreg:$0x0] =	wrdreg $0x60  }
0xb0: {  	[dreg:$0x2] =	wrdreg s2  }
0xb1: {  	[dreg:$0x3] =	wrdreg s19  }
0xb2: {  	[dreg:$0x4] =	wrdreg s4  }
0xb3: {  	[dreg:$0x5] =	wrdreg $0x0  }
0xb4: {  	[dreg:$0x6] =	wrdreg $0x9  }
0xb5: {  	_ =	task.clear_ibuf [dreg:s9], $0x7FFFF;
	_ =	strace $0x90000046  }
0xb6: {  	s29 =	simm.s32 $0x9;
	_ =	strace $0x80000048  }
0xb7: {  	_ =	swait.ge [sflag:s29], $0x1  }
0xb8: {  	[sflag:s29] =	ssyncadd.s32 $0xFFFFFFFF  }
0xb9: {  	_ =	strace $0x90000048  }
0xba: {  	_ =	sfence  }
0xbb: {  	s30 =	sld [smem:$0x0];
	_ =	sdelay $0x2  }
0xbc: {  	s31 =	sshll.u32 s1, $0xD;
	s1 =	sshrl.u32 s1, $0x2  }
0xbd: {  	s3 =	sand.u32 $0x4000, s31;
	s1 =	sadd.s32 s1, s30  }
0xbe: {  	s0 =	sor.u32 s3, s0;
	s1 =	sshll.u32 s1, $0x11  }
0xbf: {  	s0 =	sor.u32 s1, s0  }
0xc0: {  	s0 =	sadd.s32 $0x8F2B, s0  }
0xc1: {  	[sflag:s0] =	ssyncadd.remote.s32 $0x1  }
0xc2: {  	_ =	sfence.sel $0xFFFF  }
0xc3: {  	[dreg:$0x0] =	wrdreg $0xFFFFFFFF;
	(pc) =	sbr.abs _section_cstart, $3  }
0xc4: {  	[dreg:$0x1] =	wrdreg $0xFFFFFFFF  }
0xc5: {  	_ =	task.clear_ibuf [dreg:s9], $0x2FFFF;
	_ =	strace $0x9FFFFFFF  }
0xc6: {  	(tm) =	ssettm $0x7FFFFFFF  }
0xc7: {  	_ =	shalt  }
tec
execute0_lowered:
.L_overlay_start_1:
0x0: {  	(tag) =	ssettag $0x1  }
0x1: {  	s4 =	rddreg [dreg:$0x0]  }
0x2: {  	s1 =	srdreg.scid;
	s29 =	rddreg [dreg:$0x1]  }
0x3: {  	s0 =	stileid.u32;
	s31 =	rddreg [dreg:$0x2]  }
0x4: {  	s14 =	sand.u32 $0x1, s1;
	s2 =	sshll.u32 s0, $0x1;
	s6 =	sshll.u32 s0, $0xD  }
0x5: {  	s19 =	sshll.u32 s0, $0x6;
	s22 =	sshll.u32 s0, $0x10;
	s3 =	sor.u32 s14, s2  }
0x6: {  	s2 =	rddreg [dreg:$0x3];
	s5 =	smul.u32 $0x19000, s3;
	s3 =	simm.s32 $0x0  }
0x7: {  	s4 =	sadd.s32 s4, s6;
	s20 =	sor.u32 $0x1C07, s19;
	[smem:$0x7FF] =	sst s3  }
0x8: {  	s23 =	sadd.s32 s22, s2;
	_ =	strace $0x80000047;
	[dreg:$0x6] =	wrdreg s4  }
0x9: {  	s24 =	sshrl.u32 s23, $0x3;
	[dreg:$0x7] =	wrdreg s20  }
0xa: {  	[dreg:$0x9] =	wrdreg s24  }
0xb: {  	s30 =	sshrl.u32 s5, $0x3;
	s8 =	rddreg [dreg:$0x6]  }
0xc: {  	s5 =	sadd.s32 s29, s30;
	s18 =	sadd.s32 $0x640, s30;
	s9 =	rddreg [dreg:$0x7]  }
0xd: {  	[dreg:$0x5] =	wrdreg s5;
	s21 =	sadd.s32 s29, s18  }
0xe: {  	[dreg:$0x8] =	wrdreg s21  }
0xf: {  	s6 =	simm.s32 $0x7;
	s4 =	simm.s32 $0x10000;
	s7 =	rddreg [dreg:$0x5]  }
0x10: {  	[tilespmem:s4], [sflag:$0x1] =	stream.linear.gather [hbm4b:s7+s3], $0x3200, $0x38;
	[tilespmem:$0x1C800] =	vst v63  }
0x11: {  	[spmem:s24], [sflag:s9] =	dma.local [hbm:s8], $0x2000  }
0x12: {  	_ =	swait.ge [sflag:s6], $0x2000  }
0x13: {  	[sflag:s6] =	ssyncset.done $0x0  }
0x14: {  	[sflag:s6] =	ssyncadd.s32 $0xFFFFE000  }
0x15: {  	s7 =	simm.s32 $0x1;
	[bflag:$0x0] =	sbarrier.arrive $0xFFFF  }
0x16: {  	_ =	swait.ge [sflag:s7], $0x3200  }
0x17: {  	[sflag:s7] =	ssyncset.done $0x0  }
0x18: {  	s8 =	simm.s32 $0x3200;
	s9 =	simm.s32 $0x16400;
	[sflag:s7] =	ssyncadd.s32 $0xFFFFCE00  }
0x19: {  	[tilespmem:s9], [sflag:$0x3] =	stream.indirect.gather [spmem:s2], $0x1, s4, s8, $0xb8;
	[tilespmem:$0x1C800] =	vst v63  }
0x1a: {  	s10 =	simm.s32 $0x13200;
	s11 =	simm.s32 $0x2;
	s12 =	rddreg [dreg:$0x8]  }
0x1b: {  	[tilespmem:s10], [sflag:$0x2] =	stream.linear.gather [hbm4b:s12+s3], $0x3200, $0x38;
	[tilespmem:$0x1C800] =	vst v63  }
0x1c: {  	_ =	swait.ge [sflag:s11], $0x3200  }
0x1d: {  	[sflag:s11] =	ssyncset.done $0x0  }
0x1e: {  	s13 =	simm.s32 $0x3;
	s12 =	simm.s32 $0x19600;
	[sflag:s11] =	ssyncadd.s32 $0xFFFFCE00  }
0x1f: {  	[tilespmem:s12], [sflag:$0x4] =	stream.indirect.gather [spmem:s2], $0x1, s10, s8, $0xb8;
	[tilespmem:$0x1C800] =	vst v63  }
0x20: {  	_ =	swait.ge [sflag:s13], $0x3200  }
0x21: {  	[sflag:s13] =	ssyncset.done $0x0  }
0x22: {  	s25 =	sadd.s32 s31, s30;
	s21 =	sadd.s32 $0xC80, s30;
	[sflag:s13] =	ssyncadd.s32 $0xFFFFCE00  }
0x23: {  	[hbm4b:s25+s3] =	stream.linear.scatter [tilespmem:s9], [sflag:$0x5], $0x3200, $0x38;
	[tilespmem:$0x1C800] =	vst v63  }
0x24: {  	s26 =	sadd.s32 s29, s21;
	[dreg:$0xa] =	wrdreg s25  }
0x25: {  	[tilespmem:s4], [sflag:$0x1] =	stream.linear.gather [hbm4b:s26+s3], $0x3200, $0x38;
	[tilespmem:$0x1C800] =	vst v63  }
0x26: {  	_ =	swait.ge [sflag:s7], $0x3200  }
0x27: {  	[sflag:s7] =	ssyncset.done $0x0  }
0x28: {  	s16 =	simm.s32 $0x5;
	[sflag:s7] =	ssyncadd.s32 $0xFFFFCE00  }
0x29: {  	_ =	swait.ge [sflag:s16], $0x3200  }
0x2a: {  	[sflag:s16] =	ssyncset.done $0x0  }
0x2b: {  	s17 =	simm.s32 $0x4;
	[sflag:s16] =	ssyncadd.s32 $0xFFFFCE00  }
0x2c: {  	[tilespmem:s9], [sflag:$0x3] =	stream.indirect.gather [spmem:s2], $0x1, s4, s8, $0xb8;
	[tilespmem:$0x1C800] =	vst v63  }
0x2d: {  	_ =	swait.ge [sflag:s17], $0x3200  }
0x2e: {  	[sflag:s17] =	ssyncset.done $0x0  }
0x2f: {  	s23 =	sadd.s32 $0x12C0, s30;
	s18 =	sadd.s32 s31, s18;
	[sflag:s17] =	ssyncadd.s32 $0xFFFFCE00  }
0x30: {  	[hbm4b:s18+s3] =	stream.linear.scatter [tilespmem:s12], [sflag:$0x6], $0x3200, $0x38;
	[tilespmem:$0x1C800] =	vst v63  }
0x31: {  	s19 =	sadd.s32 s29, s23  }
0x32: {  	[tilespmem:s10], [sflag:$0x2] =	stream.linear.gather [hbm4b:s19+s3], $0x3200, $0x38;
	[tilespmem:$0x1C800] =	vst v63  }
0x33: {  	_ =	swait.ge [sflag:s11], $0x3200  }
0x34: {  	[sflag:s11] =	ssyncset.done $0x0  }
0x35: {  	s20 =	simm.s32 $0x6;
	[sflag:s11] =	ssyncadd.s32 $0xFFFFCE00  }
0x36: {  	_ =	swait.ge [sflag:s20], $0x3200  }
0x37: {  	[sflag:s20] =	ssyncset.done $0x0  }
0x38: {  	[sflag:s20] =	ssyncadd.s32 $0xFFFFCE00  }
0x39: {  	[tilespmem:s12], [sflag:$0x4] =	stream.indirect.gather [spmem:s2], $0x1, s10, s8, $0xb8;
	[tilespmem:$0x1C800] =	vst v63  }
0x3a: {  	_ =	swait.ge [sflag:s13], $0x3200  }
0x3b: {  	[sflag:s13] =	ssyncset.done $0x0  }
0x3c: {  	s21 =	sadd.s32 s31, s21;
	s25 =	sadd.s32 $0x1900, s30;
	[sflag:s13] =	ssyncadd.s32 $0xFFFFCE00  }
0x3d: {  	[hbm4b:s21+s3] =	stream.linear.scatter [tilespmem:s9], [sflag:$0x5], $0x3200, $0x38;
	[tilespmem:$0x1C800] =	vst v63  }
0x3e: {  	s22 =	sadd.s32 s29, s25  }
0x3f: {  	[tilespmem:s4], [sflag:$0x1] =	stream.linear.gather [hbm4b:s22+s3], $0x3200, $0x38;
	[tilespmem:$0x1C800] =	vst v63  }
0x40: {  	_ =	swait.ge [sflag:s7], $0x3200  }
0x41: {  	[sflag:s7] =	ssyncset.done $0x0  }
0x42: {  	[sflag:s7] =	ssyncadd.s32 $0xFFFFCE00  }
0x43: {  	_ =	swait.ge [sflag:s16], $0x3200  }
0x44: {  	[sflag:s16] =	ssyncset.done $0x0  }
0x45: {  	[sflag:s16] =	ssyncadd.s32 $0xFFFFCE00  }
0x46: {  	[tilespmem:s9], [sflag:$0x3] =	stream.indirect.gather [spmem:s2], $0x1, s4, s8, $0xb8;
	[tilespmem:$0x1C800] =	vst v63  }
0x47: {  	_ =	swait.ge [sflag:s17], $0x3200  }
0x48: {  	[sflag:s17] =	ssyncset.done $0x0  }
0x49: {  	s28 =	sadd.s32 $0x1F40, s30;
	s23 =	sadd.s32 s31, s23;
	[sflag:s17] =	ssyncadd.s32 $0xFFFFCE00  }
0x4a: {  	[hbm4b:s23+s3] =	stream.linear.scatter [tilespmem:s12], [sflag:$0x6], $0x3200, $0x38;
	[tilespmem:$0x1C800] =	vst v63  }
0x4b: {  	s24 =	sadd.s32 s29, s28  }
0x4c: {  	[tilespmem:s10], [sflag:$0x2] =	stream.linear.gather [hbm4b:s24+s3], $0x3200, $0x38;
	[tilespmem:$0x1C800] =	vst v63  }
0x4d: {  	_ =	swait.ge [sflag:s11], $0x3200  }
0x4e: {  	[sflag:s11] =	ssyncset.done $0x0  }
0x4f: {  	[sflag:s11] =	ssyncadd.s32 $0xFFFFCE00  }
0x50: {  	_ =	swait.ge [sflag:s20], $0x3200  }
0x51: {  	[sflag:s20] =	ssyncset.done $0x0  }
0x52: {  	[sflag:s20] =	ssyncadd.s32 $0xFFFFCE00  }
0x53: {  	[tilespmem:s12], [sflag:$0x4] =	stream.indirect.gather [spmem:s2], $0x1, s10, s8, $0xb8;
	[tilespmem:$0x1C800] =	vst v63  }
0x54: {  	_ =	swait.ge [sflag:s13], $0x3200  }
0x55: {  	[sflag:s13] =	ssyncset.done $0x0  }
0x56: {  	s0 =	sadd.s32 $0x2580, s30;
	s25 =	sadd.s32 s31, s25;
	[sflag:s13] =	ssyncadd.s32 $0xFFFFCE00  }
0x57: {  	[hbm4b:s25+s3] =	stream.linear.scatter [tilespmem:s9], [sflag:$0x5], $0x3200, $0x38;
	[tilespmem:$0x1C800] =	vst v63  }
0x58: {  	s15 =	smov.u32 s26;
	s26 =	sadd.s32 s29, s0  }
0x59: {  	[tilespmem:s4], [sflag:$0x1] =	stream.linear.gather [hbm4b:s26+s3], $0x3200, $0x38;
	[tilespmem:$0x1C800] =	vst v63  }
0x5a: {  	_ =	swait.ge [sflag:s7], $0x3200  }
0x5b: {  	[sflag:s7] =	ssyncset.done $0x0  }
0x5c: {  	[sflag:s7] =	ssyncadd.s32 $0xFFFFCE00  }
0x5d: {  	_ =	swait.ge [sflag:s16], $0x3200  }
0x5e: {  	[sflag:s16] =	ssyncset.done $0x0  }
0x5f: {  	[sflag:s16] =	ssyncadd.s32 $0xFFFFCE00  }
0x60: {  	[tilespmem:s9], [sflag:$0x3] =	stream.indirect.gather [spmem:s2], $0x1, s4, s8, $0xb8;
	[tilespmem:$0x1C800] =	vst v63  }
0x61: {  	_ =	swait.ge [sflag:s17], $0x3200  }
0x62: {  	[sflag:s17] =	ssyncset.done $0x0  }
0x63: {  	s5 =	sadd.s32 $0x2BC0, s30;
	s28 =	sadd.s32 s31, s28;
	[sflag:s17] =	ssyncadd.s32 $0xFFFFCE00  }
0x64: {  	[hbm4b:s28+s3] =	stream.linear.scatter [tilespmem:s12], [sflag:$0x6], $0x3200, $0x38;
	[tilespmem:$0x1C800] =	vst v63  }
0x65: {  	s29 =	sadd.s32 s29, s5  }
0x66: {  	[tilespmem:s10], [sflag:$0x2] =	stream.linear.gather [hbm4b:s29+s3], $0x3200, $0x38;
	[tilespmem:$0x1C800] =	vst v63  }
0x67: {  	_ =	swait.ge [sflag:s11], $0x3200  }
0x68: {  	[sflag:s11] =	ssyncset.done $0x0  }
0x69: {  	[sflag:s11] =	ssyncadd.s32 $0xFFFFCE00  }
0x6a: {  	_ =	swait.ge [sflag:s20], $0x3200  }
0x6b: {  	[sflag:s20] =	ssyncset.done $0x0  }
0x6c: {  	[sflag:s20] =	ssyncadd.s32 $0xFFFFCE00  }
0x6d: {  	[tilespmem:s12], [sflag:$0x4] =	stream.indirect.gather [spmem:s2], $0x1, s10, s8, $0xb8;
	[tilespmem:$0x1C800] =	vst v63  }
0x6e: {  	s30 =	sadd.s32 s31, s0;
	_ =	swait.ge [sflag:s13], $0x3200  }
0x6f: {  	s31 =	sadd.s32 s31, s5;
	s5 =	ssub.s32 $0x2, s14;
	[sflag:s13] =	ssyncset.done $0x0  }
0x70: {  	s14 =	sshrl.u32 s5, $0x1;
	[sflag:s13] =	ssyncadd.s32 $0xFFFFCE00  }
0x71: {  	[hbm4b:s30+s3] =	stream.linear.scatter [tilespmem:s9], [sflag:$0x5], $0x3200, $0x38;
	[tilespmem:$0x1C800] =	vst v63  }
0x72: {  	s0 =	ssub.s32 s5, s14;
	_ =	swait.ge [sflag:s17], $0x3200  }
0x73: {  	s0 =	smax.u32 s0, $0x1;
	[sflag:s17] =	ssyncset.done $0x0  }
0x74: {  	p0 =	sne.s32 s0, $0x1;
	[sflag:s17] =	ssyncadd.s32 $0xFFFFCE00  }
0x75: {  	[hbm4b:s31+s3] =	stream.linear.scatter [tilespmem:s12], [sflag:$0x6], $0x3200, $0x38;
	[tilespmem:$0x1C800] =	vst v63  }
.Ltmp0:
0x76: {  	_ = 	snop;
	(pc) =	sbr.rel @!p0 .LBB2_2-.Ltmp0, $4  }
0x77: {  	_ =	swait.ge [sflag:s16], $0x3200  }
0x78: {  	[sflag:s16] =	ssyncset.done $0x0  }
0x79: {  	[sflag:s16] =	ssyncadd.s32 $0xFFFFCE00  }
0x7a: {  	s1 =	sadd.s32 $0xFFFFFFFF, s0;
	_ =	swait.ge [sflag:s20], $0x3200  }
.LBB2_1:
0x7b: {  	s0 =	rddreg [dreg:$0x5]  }
0x7c: {  	s5 =	rddreg [dreg:$0x6];
	[sflag:s20] =	ssyncset.done $0x0  }
0x7d: {  	s14 =	rddreg [dreg:$0x7];
	[sflag:s20] =	ssyncadd.s32 $0xFFFFCE00  }
0x7e: {  	[tilespmem:s4], [sflag:$0x1] =	stream.linear.gather [hbm4b:s0+s3], $0x3200, $0x38;
	[tilespmem:$0x1C800] =	vst v63  }
0x7f: {  	s0 =	rddreg [dreg:$0x9]  }
0x80: {  	[spmem:s0], [sflag:s14] =	dma.local [hbm:s5], $0x2000  }
0x81: {  	_ =	swait.ge [sflag:s6], $0x2000  }
0x82: {  	[sflag:s6] =	ssyncset.done $0x0  }
0x83: {  	[sflag:s6] =	ssyncadd.s32 $0xFFFFE000  }
0x84: {  	[bflag:$0x0] =	sbarrier.arrive $0xFFFF  }
0x85: {  	_ =	swait.ge [sflag:s7], $0x3200  }
0x86: {  	[sflag:s7] =	ssyncset.done $0x0  }
0x87: {  	[sflag:s7] =	ssyncadd.s32 $0xFFFFCE00  }
0x88: {  	[tilespmem:s9], [sflag:$0x3] =	stream.indirect.gather [spmem:s2], $0x1, s4, s8, $0xb8;
	[tilespmem:$0x1C800] =	vst v63  }
0x89: {  	s5 =	rddreg [dreg:$0x8]  }
0x8a: {  	[tilespmem:s10], [sflag:$0x2] =	stream.linear.gather [hbm4b:s5+s3], $0x3200, $0x38;
	[tilespmem:$0x1C800] =	vst v63  }
0x8b: {  	_ =	swait.ge [sflag:s11], $0x3200  }
0x8c: {  	[sflag:s11] =	ssyncset.done $0x0  }
0x8d: {  	[sflag:s11] =	ssyncadd.s32 $0xFFFFCE00  }
0x8e: {  	[tilespmem:s12], [sflag:$0x4] =	stream.indirect.gather [spmem:s2], $0x1, s10, s8, $0xb8;
	[tilespmem:$0x1C800] =	vst v63  }
0x8f: {  	_ =	swait.ge [sflag:s13], $0x3200  }
0x90: {  	[sflag:s13] =	ssyncset.done $0x0  }
0x91: {  	s14 =	rddreg [dreg:$0xa];
	[sflag:s13] =	ssyncadd.s32 $0xFFFFCE00  }
0x92: {  	[hbm4b:s14+s3] =	stream.linear.scatter [tilespmem:s9], [sflag:$0x5], $0x3200, $0x38;
	[tilespmem:$0x1C800] =	vst v63  }
0x93: {  	_ = 	snop  }
0x94: {  	[tilespmem:s4], [sflag:$0x1] =	stream.linear.gather [hbm4b:s15+s3], $0x3200, $0x38;
	[tilespmem:$0x1C800] =	vst v63  }
0x95: {  	_ =	swait.ge [sflag:s7], $0x3200  }
0x96: {  	[sflag:s7] =	ssyncset.done $0x0  }
0x97: {  	[sflag:s7] =	ssyncadd.s32 $0xFFFFCE00  }
0x98: {  	_ =	swait.ge [sflag:s16], $0x3200  }
0x99: {  	[sflag:s16] =	ssyncset.done $0x0  }
0x9a: {  	[sflag:s16] =	ssyncadd.s32 $0xFFFFCE00  }
0x9b: {  	[tilespmem:s9], [sflag:$0x3] =	stream.indirect.gather [spmem:s2], $0x1, s4, s8, $0xb8;
	[tilespmem:$0x1C800] =	vst v63  }
0x9c: {  	_ =	swait.ge [sflag:s17], $0x3200  }
0x9d: {  	[sflag:s17] =	ssyncset.done $0x0  }
0x9e: {  	[sflag:s17] =	ssyncadd.s32 $0xFFFFCE00  }
0x9f: {  	[hbm4b:s18+s3] =	stream.linear.scatter [tilespmem:s12], [sflag:$0x6], $0x3200, $0x38;
	[tilespmem:$0x1C800] =	vst v63  }
0xa0: {  	_ = 	snop  }
0xa1: {  	[tilespmem:s10], [sflag:$0x2] =	stream.linear.gather [hbm4b:s19+s3], $0x3200, $0x38;
	[tilespmem:$0x1C800] =	vst v63  }
0xa2: {  	_ =	swait.ge [sflag:s11], $0x3200  }
0xa3: {  	[sflag:s11] =	ssyncset.done $0x0  }
0xa4: {  	[sflag:s11] =	ssyncadd.s32 $0xFFFFCE00  }
0xa5: {  	_ =	swait.ge [sflag:s20], $0x3200  }
0xa6: {  	[sflag:s20] =	ssyncset.done $0x0  }
0xa7: {  	[sflag:s20] =	ssyncadd.s32 $0xFFFFCE00  }
0xa8: {  	[tilespmem:s12], [sflag:$0x4] =	stream.indirect.gather [spmem:s2], $0x1, s10, s8, $0xb8;
	[tilespmem:$0x1C800] =	vst v63  }
0xa9: {  	_ =	swait.ge [sflag:s13], $0x3200  }
0xaa: {  	[sflag:s13] =	ssyncset.done $0x0  }
0xab: {  	[sflag:s13] =	ssyncadd.s32 $0xFFFFCE00  }
0xac: {  	[hbm4b:s21+s3] =	stream.linear.scatter [tilespmem:s9], [sflag:$0x5], $0x3200, $0x38;
	[tilespmem:$0x1C800] =	vst v63  }
0xad: {  	_ = 	snop  }
0xae: {  	[tilespmem:s4], [sflag:$0x1] =	stream.linear.gather [hbm4b:s22+s3], $0x3200, $0x38;
	[tilespmem:$0x1C800] =	vst v63  }
0xaf: {  	_ =	swait.ge [sflag:s7], $0x3200  }
0xb0: {  	[sflag:s7] =	ssyncset.done $0x0  }
0xb1: {  	[sflag:s7] =	ssyncadd.s32 $0xFFFFCE00  }
0xb2: {  	_ =	swait.ge [sflag:s16], $0x3200  }
0xb3: {  	[sflag:s16] =	ssyncset.done $0x0  }
0xb4: {  	[sflag:s16] =	ssyncadd.s32 $0xFFFFCE00  }
0xb5: {  	[tilespmem:s9], [sflag:$0x3] =	stream.indirect.gather [spmem:s2], $0x1, s4, s8, $0xb8;
	[tilespmem:$0x1C800] =	vst v63  }
0xb6: {  	_ =	swait.ge [sflag:s17], $0x3200  }
0xb7: {  	[sflag:s17] =	ssyncset.done $0x0  }
0xb8: {  	[sflag:s17] =	ssyncadd.s32 $0xFFFFCE00  }
0xb9: {  	[hbm4b:s23+s3] =	stream.linear.scatter [tilespmem:s12], [sflag:$0x6], $0x3200, $0x38;
	[tilespmem:$0x1C800] =	vst v63  }
0xba: {  	_ = 	snop  }
0xbb: {  	[tilespmem:s10], [sflag:$0x2] =	stream.linear.gather [hbm4b:s24+s3], $0x3200, $0x38;
	[tilespmem:$0x1C800] =	vst v63  }
0xbc: {  	_ =	swait.ge [sflag:s11], $0x3200  }
0xbd: {  	[sflag:s11] =	ssyncset.done $0x0  }
0xbe: {  	[sflag:s11] =	ssyncadd.s32 $0xFFFFCE00  }
0xbf: {  	_ =	swait.ge [sflag:s20], $0x3200  }
0xc0: {  	[sflag:s20] =	ssyncset.done $0x0  }
0xc1: {  	[sflag:s20] =	ssyncadd.s32 $0xFFFFCE00  }
0xc2: {  	[tilespmem:s12], [sflag:$0x4] =	stream.indirect.gather [spmem:s2], $0x1, s10, s8, $0xb8;
	[tilespmem:$0x1C800] =	vst v63  }
0xc3: {  	_ =	swait.ge [sflag:s13], $0x3200  }
0xc4: {  	[sflag:s13] =	ssyncset.done $0x0  }
0xc5: {  	[sflag:s13] =	ssyncadd.s32 $0xFFFFCE00  }
0xc6: {  	[hbm4b:s25+s3] =	stream.linear.scatter [tilespmem:s9], [sflag:$0x5], $0x3200, $0x38;
	[tilespmem:$0x1C800] =	vst v63  }
0xc7: {  	_ = 	snop  }
0xc8: {  	[tilespmem:s4], [sflag:$0x1] =	stream.linear.gather [hbm4b:s26+s3], $0x3200, $0x38;
	[tilespmem:$0x1C800] =	vst v63  }
0xc9: {  	_ =	swait.ge [sflag:s7], $0x3200  }
0xca: {  	[sflag:s7] =	ssyncset.done $0x0  }
0xcb: {  	[sflag:s7] =	ssyncadd.s32 $0xFFFFCE00  }
0xcc: {  	_ =	swait.ge [sflag:s16], $0x3200  }
0xcd: {  	[sflag:s16] =	ssyncset.done $0x0  }
0xce: {  	[sflag:s16] =	ssyncadd.s32 $0xFFFFCE00  }
0xcf: {  	[tilespmem:s9], [sflag:$0x3] =	stream.indirect.gather [spmem:s2], $0x1, s4, s8, $0xb8;
	[tilespmem:$0x1C800] =	vst v63  }
0xd0: {  	_ =	swait.ge [sflag:s17], $0x3200  }
0xd1: {  	[sflag:s17] =	ssyncset.done $0x0  }
0xd2: {  	[sflag:s17] =	ssyncadd.s32 $0xFFFFCE00  }
0xd3: {  	[hbm4b:s28+s3] =	stream.linear.scatter [tilespmem:s12], [sflag:$0x6], $0x3200, $0x38;
	[tilespmem:$0x1C800] =	vst v63  }
0xd4: {  	_ = 	snop  }
0xd5: {  	[tilespmem:s10], [sflag:$0x2] =	stream.linear.gather [hbm4b:s29+s3], $0x3200, $0x38;
	[tilespmem:$0x1C800] =	vst v63  }
0xd6: {  	_ =	swait.ge [sflag:s11], $0x3200  }
0xd7: {  	[sflag:s11] =	ssyncset.done $0x0  }
0xd8: {  	[sflag:s11] =	ssyncadd.s32 $0xFFFFCE00  }
0xd9: {  	_ =	swait.ge [sflag:s20], $0x3200  }
0xda: {  	[sflag:s20] =	ssyncset.done $0x0  }
0xdb: {  	[sflag:s20] =	ssyncadd.s32 $0xFFFFCE00  }
0xdc: {  	[tilespmem:s12], [sflag:$0x4] =	stream.indirect.gather [spmem:s2], $0x1, s10, s8, $0xb8;
	[tilespmem:$0x1C800] =	vst v63  }
0xdd: {  	_ =	swait.ge [sflag:s13], $0x3200  }
0xde: {  	[sflag:s13] =	ssyncset.done $0x0  }
0xdf: {  	[sflag:s13] =	ssyncadd.s32 $0xFFFFCE00  }
0xe0: {  	[hbm4b:s30+s3] =	stream.linear.scatter [tilespmem:s9], [sflag:$0x5], $0x3200, $0x38;
	[tilespmem:$0x1C800] =	vst v63  }
0xe1: {  	_ =	swait.ge [sflag:s17], $0x3200  }
0xe2: {  	[sflag:s17] =	ssyncset.done $0x0  }
0xe3: {  	p0 =	sne.s32 s1, $0x1;
	[sflag:s17] =	ssyncadd.s32 $0xFFFFCE00  }
0xe4: {  	[hbm4b:s31+s3] =	stream.linear.scatter [tilespmem:s12], [sflag:$0x6], $0x3200, $0x38;
	[tilespmem:$0x1C800] =	vst v63  }
.Ltmp1:
0xe5: {  	_ = 	snop;
	(pc) =	sbr.rel @p0 .LBB2_1-.Ltmp1, $4  }
0xe6: {  	_ =	swait.ge [sflag:s16], $0x3200  }
0xe7: {  	[sflag:s16] =	ssyncset.done $0x0  }
0xe8: {  	[sflag:s16] =	ssyncadd.s32 $0xFFFFCE00  }
0xe9: {  	s1 =	sadd.s32 $0xFFFFFFFF, s1;
	_ =	swait.ge [sflag:s20], $0x3200  }
.LBB2_2:
0xea: {  	[sflag:s20] =	ssyncset.done $0x0  }
0xeb: {  	[sflag:s20] =	ssyncadd.s32 $0xFFFFCE00  }
0xec: {  	_ =	sfence.sel $0x180000  }
0xed: {  	[bflag:$0x0] =	sbarrier.arrive $0xFFFF  }
0xee: {  	_ =	strace $0x90000047  }
0xef: {  	s0 =	stileid.u32;
	[bflag:$0x2] =	sbarrier.arrive $0xFFFF  }
0xf0: {  	p0 =	sne.s32 s0, $0x0;
	s0 =	rddreg [dreg:$0x4]  }
0xf1: {  	s0 =	sadd.s32 @!p0 $0x100000, s0  }
0xf2: {  	[sflag:s0] =	ssyncadd.tile.s32 @!p0 $0x1;
	_ =	shalt  }
.Lfunc_end2:
_tile_overlayer_lowered:
.L_overlay_start_2:
0xf3: {  	(tag) =	ssettag $0x2  }
0xf4: {  	s0 =	rddreg [dreg:$0x0];
	s2 =	stileid.u32  }
0xf5: {  	s1 =	rddreg [dreg:$0x1];
	p0 =	sne.s32 s2, $0x0  }
0xf6: {  	s3 =	rddreg [dreg:$0x2];
	[bflag:$0x3] =	sbarrier.arrive $0xFFFF;
	s2 =	simm.s32 @!p0 $0x1C07  }
0xf7: {  	[timem:s3], [sflag:s2] =	dma.local @!p0 [hbm:s0], s1  }
0xf8: {  	s0 =	simm.s32 @!p0 $0x7  }
0xf9: {  	_ =	swait.ge @!p0 [sflag:s0], s1  }
0xfa: {  	s1 =	ssub.s32 @!p0 $0x0, s1;
	[sflag:s0] =	ssyncset.done @!p0 $0x0  }
0xfb: {  	[sflag:s0] =	ssyncadd.s32 @!p0 s1  }
0xfc: {  	[bflag:$0x3] =	sbarrier.arrive $0xFFFF  }
0xfd: {  	_ =	shalt  }

</sc_bundles>
